<compile_context>
chip_gen: v7x
topology: tpu7x:2x2x1
jax: 0.10.2.dev20260603
libtpu: 0.0.44.dev20260713+nightly
codegen_flags: <defaults>
</compile_context>

<pallas_src>
import jax
import jax.numpy as jnp
from jax import lax
from jax.experimental import pallas as pl
from jax.experimental.pallas import tpu as pltpu
from jax.experimental.pallas import tpu_sc as plsc

B = 262144
K = 256
V = 4
BN = 16384

_NC = 2
_NS = 16
_NW = _NC * _NS
_BPW = B // _NW
_L = 16


def _tc_body(xt_ref, tlut_ref, state_ref):
    x = xt_ref[...]
    tl = tlut_ref[...]
    t2 = jnp.sum(tl * tl, axis=1, keepdims=True)
    xt = lax.dot_general(tl, x, (((1,), (0,)), ((), ())),
                         preferred_element_type=jnp.float32)
    d2 = t2 - 2.0 * xt
    m = jnp.min(d2, axis=0, keepdims=True)
    sub = lax.broadcasted_iota(jnp.int32, (K, BN), 0)
    idx = jnp.min(jnp.where(d2 == m, sub, K), axis=0,
                  keepdims=True)
    state_ref[...] = idx[0]


def _sc_body(tlutT_hbm, state_hbm, out_hbm, tT_v, idx_v, out_v):
    wid = lax.axis_index("s") * _NC + lax.axis_index("c")
    base = wid * _BPW
    pltpu.sync_copy(tlutT_hbm, tT_v)
    pltpu.sync_copy(state_hbm.at[pl.ds(base, _BPW)], idx_v)

    @plsc.parallel_loop(0, _BPW // _L, unroll=16)
    def _step(i):
        s16 = idx_v[pl.ds(i * _L, _L)]
        off = (i // 8) * (V * 128) + (i % 8) * _L
        for j in range(V):
            out_v[pl.ds(off + j * 128, _L)] = plsc.load_gather(
                tT_v, [s16 + (j * K)])
    pltpu.sync_copy(out_v, out_hbm.at[pl.ds(base * V, _BPW * V)])


def kernel(X, tlut):
    state = pl.pallas_call(
        _tc_body,
        grid=(B // BN,),
        in_specs=[
            pl.BlockSpec((V, BN), lambda i: (0, i)),
            pl.BlockSpec((K, V), lambda i: (0, 0)),
        ],
        out_specs=pl.BlockSpec((BN,), lambda i: (i,)),
        out_shape=jax.ShapeDtypeStruct((B,), jnp.int32),
    )(X.T, tlut)

    hat_flat = pl.kernel(
        _sc_body,
        out_type=jax.ShapeDtypeStruct((V * B,), jnp.float32),
        mesh=plsc.VectorSubcoreMesh(core_axis_name="c", subcore_axis_name="s"),
        compiler_params=pltpu.CompilerParams(needs_layout_passes=False),
        scratch_types=[
            pltpu.VMEM((V * K,), jnp.float32),
            pltpu.VMEM((_BPW,), jnp.int32),
            pltpu.VMEM((V * _BPW,), jnp.float32),
        ],
    )(tlut.T.reshape(V * K), state)
    hatX = hat_flat.reshape(B // 128, V, 128).transpose(0, 2, 1).reshape(B, V)
    return hatX, state

# --- scband reference (transcript-rebuilt; emitter-appended) ---
"""Pipeline reference for scband-vq-codebook-6030134083833 (READ-ONLY COPY).

The authoritative reference and input builder live on the scoring server;
editing this copy changes nothing except your own understanding.
"""

import jax, jax.numpy as jnp
import numpy as np

VEC_SZ = 4
LUT_BITS = 8
K = 2 ** LUT_BITS  # 256 codebook entries
B = 262144


def setup_inputs(seed: int = 0) -> dict:
    key = jax.random.key(seed)
    kx, kt = jax.random.split(key)
    X = jax.random.normal(kx, (B, VEC_SZ), dtype=jnp.float32)
    # learned codebook buffer (stand-in for the kmeans-trained tlut)
    tlut = jax.random.normal(kt, (K, VEC_SZ), dtype=jnp.float32)
    return {"X": X, "tlut": tlut}


def reference(X, tlut):
    # torch.cdist(X, tlut) with p=2, computed via the expanded quadratic form
    x2 = jnp.sum(X * X, axis=-1, keepdims=True)            # [B, 1]
    t2 = jnp.sum(tlut * tlut, axis=-1)                     # [K]
    d2 = x2 - 2.0 * (X @ tlut.T) + t2[None, :]             # [B, K]
    dist = jnp.sqrt(jnp.maximum(d2, 0.0))
    # state = argmin over codebook axis
    state = jnp.argmin(dist, axis=-1)                      # [B] int
    # recons: hatX = tlut[state]
    hatX = jnp.take(tlut, state, axis=0)                   # [B, VEC_SZ]
    return hatX, state.astype(jnp.int32)

if __name__ == "__main__":
    import jax
    _d = setup_inputs()
    print(jax.jit(kernel)(*tuple(_d.values())))

</pallas_src>

<mosaic_0001>
#map = affine_map<(d0, d1) -> (0)>
module attributes {stable_mosaic.version = 14 : i64} {
  func.func @_sc_body(%arg0: i32, %arg1: i32, %arg2: memref<1024xf32, #tpu.memory_space<hbm>>, %arg3: memref<262144xi32, #tpu.memory_space<hbm>>, %arg4: memref<1048576xf32, #tpu.memory_space<hbm>>, %arg5: memref<1024xf32, #tpu.memory_space<vmem>>, %arg6: memref<8192xi32, #tpu.memory_space<vmem>>, %arg7: memref<32768xf32, #tpu.memory_space<vmem>>) attributes {dimension_semantics = [#tpu.dimension_semantics<core_parallel>, #tpu.dimension_semantics<subcore_parallel>], iteration_bounds = array<i64: 2, 16>, scalar_prefetch = 0 : i64, scratch_operands = 3 : i64, tpu.core_type = #tpu.core_type<sc_vector_subcore>, window_params = [{transform_indices = #map}, {transform_indices = #map}, {transform_indices = #map}]} {
    %mul3A = arith.constant 2 : i32
    %mul3A_0 = arith.muli %arg1, %mul3A : i32
    %add3A = arith.addi %mul3A_0, %arg0 : i32
    %mul3A_1 = arith.constant 8192 : i32
    %mul3A_2 = arith.muli %add3A, %mul3A_1 : i32
    "tpu.region"() ({
      %run_scoped3A = tpu.sem_alloc : memref<!tpu.dma_semaphore, #tpu.memory_space<semaphore_mem>>
      tpu.enqueue_dma source(%arg2 : memref<1024xf32, #tpu.memory_space<hbm>>) target(%arg5 : memref<1024xf32, #tpu.memory_space<vmem>>) target_semaphore(%run_scoped3A : memref<!tpu.dma_semaphore, #tpu.memory_space<semaphore_mem>>)
      tpu.wait_dma2 semaphore(%run_scoped3A : memref<!tpu.dma_semaphore, #tpu.memory_space<semaphore_mem>>) src(%arg2 : memref<1024xf32, #tpu.memory_space<hbm>>) dst(%arg5 : memref<1024xf32, #tpu.memory_space<vmem>>)
      tpu.yield
    }) : () -> ()
    "tpu.region"() ({
      %run_scoped3A = tpu.sem_alloc : memref<!tpu.dma_semaphore, #tpu.memory_space<semaphore_mem>>
      %dma_start3A = tpu.memref_slice %arg3[%mul3A_2] : memref<262144xi32, #tpu.memory_space<hbm>> -> memref<8192xi32, #tpu.memory_space<hbm>>
      %dma_start3A_7 = tpu.memref_slice %arg3[%mul3A_2] : memref<262144xi32, #tpu.memory_space<hbm>> -> memref<8192xi32, #tpu.memory_space<hbm>>
      tpu.enqueue_dma source(%dma_start3A_7 : memref<8192xi32, #tpu.memory_space<hbm>>) target(%arg6 : memref<8192xi32, #tpu.memory_space<vmem>>) target_semaphore(%run_scoped3A : memref<!tpu.dma_semaphore, #tpu.memory_space<semaphore_mem>>)
      %dma_wait3A = tpu.memref_slice %arg3[%mul3A_2] : memref<262144xi32, #tpu.memory_space<hbm>> -> memref<8192xi32, #tpu.memory_space<hbm>>
      %dma_wait3A_8 = tpu.memref_slice %arg3[%mul3A_2] : memref<262144xi32, #tpu.memory_space<hbm>> -> memref<8192xi32, #tpu.memory_space<hbm>>
      tpu.wait_dma2 semaphore(%run_scoped3A : memref<!tpu.dma_semaphore, #tpu.memory_space<semaphore_mem>>) src(%dma_wait3A_8 : memref<8192xi32, #tpu.memory_space<hbm>>) dst(%arg6 : memref<8192xi32, #tpu.memory_space<vmem>>)
      tpu.yield
    }) : () -> ()
    %parallel_loop3A = arith.constant 0 : i32
    %parallel_loop3A_3 = arith.constant 512 : i32
    %parallel_loop3A_4 = arith.constant 1 : i32
    scf.for %parallel_loop3A_7 = %parallel_loop3A to %parallel_loop3A_3 step %parallel_loop3A_4  : i32 {
      %parallel_loop3A_8 = arith.constant 16 : i32
      %parallel_loop3A_9 = arith.muli %parallel_loop3A_7, %parallel_loop3A_8 : i32
      %parallel_loop3A_10 = arith.index_cast %parallel_loop3A_9 : i32 to index
      %parallel_loop3A_11 = tpu.vector_load %arg6[%parallel_loop3A_10] {strides = array<i32>} : memref<8192xi32, #tpu.memory_space<vmem>>, vector<16xi32>,
      %parallel_loop3A_12 = arith.constant 8 : i32
      %parallel_loop3A_13 = arith.divsi %parallel_loop3A_7, %parallel_loop3A_12 : i32
      %parallel_loop3A_14 = arith.constant 0 : i32
      %parallel_loop3A_15 = arith.cmpi sgt, %parallel_loop3A_7, %parallel_loop3A_14 : i32
      %parallel_loop3A_16 = arith.extui %parallel_loop3A_15 : i1 to i32
      %parallel_loop3A_17 = arith.constant 0 : i32
      %parallel_loop3A_18 = arith.cmpi slt, %parallel_loop3A_7, %parallel_loop3A_17 : i32
      %parallel_loop3A_19 = arith.extui %parallel_loop3A_18 : i1 to i32
      %parallel_loop3A_20 = arith.subi %parallel_loop3A_16, %parallel_loop3A_19 : i32
      %parallel_loop3A_21 = arith.constant 0 : i32
      %parallel_loop3A_22 = arith.cmpi sgt, %parallel_loop3A_12, %parallel_loop3A_21 : i32
      %parallel_loop3A_23 = arith.extui %parallel_loop3A_22 : i1 to i32
      %parallel_loop3A_24 = arith.constant 0 : i32
      %parallel_loop3A_25 = arith.cmpi slt, %parallel_loop3A_12, %parallel_loop3A_24 : i32
      %parallel_loop3A_26 = arith.extui %parallel_loop3A_25 : i1 to i32
      %parallel_loop3A_27 = arith.subi %parallel_loop3A_23, %parallel_loop3A_26 : i32
      %parallel_loop3A_28 = arith.cmpi ne, %parallel_loop3A_20, %parallel_loop3A_27 : i32
      %parallel_loop3A_29 = arith.remsi %parallel_loop3A_7, %parallel_loop3A_12 : i32
      %parallel_loop3A_30 = arith.constant 0 : i32
      %parallel_loop3A_31 = arith.cmpi ne, %parallel_loop3A_29, %parallel_loop3A_30 : i32
      %parallel_loop3A_32 = arith.andi %parallel_loop3A_28, %parallel_loop3A_31 : i1
      %parallel_loop3A_33 = arith.constant 1 : i32
      %parallel_loop3A_34 = arith.subi %parallel_loop3A_13, %parallel_loop3A_33 : i32
      %parallel_loop3A_35 = arith.select %parallel_loop3A_32, %parallel_loop3A_34, %parallel_loop3A_13 : i32
      %parallel_loop3A_36 = arith.constant 512 : i32
      %parallel_loop3A_37 = arith.muli %parallel_loop3A_35, %parallel_loop3A_36 : i32
      %parallel_loop3A_38 = arith.constant 8 : i32
      %parallel_loop3A_39 = arith.constant 0 : i32
      %parallel_loop3A_40 = arith.cmpi eq, %parallel_loop3A_38, %parallel_loop3A_39 : i32
      %parallel_loop3A_41 = arith.constant 1 : i32
      %parallel_loop3A_42 = arith.select %parallel_loop3A_40, %parallel_loop3A_41, %parallel_loop3A_38 : i32
      %parallel_loop3A_43 = arith.remsi %parallel_loop3A_7, %parallel_loop3A_42 : i32
      %parallel_loop3A_44 = arith.constant 0 : i32
      %parallel_loop3A_45 = arith.cmpi ne, %parallel_loop3A_43, %parallel_loop3A_44 : i32
      %parallel_loop3A_46 = arith.constant 0 : i32
      %parallel_loop3A_47 = arith.cmpi slt, %parallel_loop3A_43, %parallel_loop3A_46 : i32
      %parallel_loop3A_48 = arith.constant 0 : i32
      %parallel_loop3A_49 = arith.cmpi slt, %parallel_loop3A_42, %parallel_loop3A_48 : i32
      %parallel_loop3A_50 = arith.xori %parallel_loop3A_47, %parallel_loop3A_49 : i1
      %parallel_loop3A_51 = arith.andi %parallel_loop3A_50, %parallel_loop3A_45 : i1
      %parallel_loop3A_52 = arith.addi %parallel_loop3A_43, %parallel_loop3A_42 : i32
      %parallel_loop3A_53 = arith.select %parallel_loop3A_51, %parallel_loop3A_52, %parallel_loop3A_43 : i32
      %parallel_loop3A_54 = arith.constant 16 : i32
      %parallel_loop3A_55 = arith.muli %parallel_loop3A_53, %parallel_loop3A_54 : i32
      %parallel_loop3A_56 = arith.addi %parallel_loop3A_37, %parallel_loop3A_55 : i32
      %parallel_loop3A_57 = arith.constant 0 : i32
      %parallel_loop3A_58 = vector.broadcast %parallel_loop3A_57 : i32 to vector<16xi32>
      %parallel_loop3A_59 = arith.addi %parallel_loop3A_11, %parallel_loop3A_58 : vector<16xi32>
      %parallel_loop3A_60 = tpu.vector_load_idx %arg5[%parallel_loop3A_59] : memref<1024xf32, #tpu.memory_space<vmem>>[vector<16xi32>], vector<16xf32>,
      %parallel_loop3A_61 = arith.constant 0 : i32
      %parallel_loop3A_62 = arith.addi %parallel_loop3A_56, %parallel_loop3A_61 : i32
      %parallel_loop3A_63 = arith.index_cast %parallel_loop3A_62 : i32 to index
      %parallel_loop3A_64 = tpu.vector_load %arg7[%parallel_loop3A_63] {strides = array<i32>} : memref<32768xf32, #tpu.memory_space<vmem>>, vector<16xf32>,
      tpu.vector_store %arg7[%parallel_loop3A_63], %parallel_loop3A_60 {strides = array<i32>} : memref<32768xf32, #tpu.memory_space<vmem>>, vector<16xf32>,
      %parallel_loop3A_65 = arith.constant 256 : i32
      %parallel_loop3A_66 = vector.broadcast %parallel_loop3A_65 : i32 to vector<16xi32>
      %parallel_loop3A_67 = arith.addi %parallel_loop3A_11, %parallel_loop3A_66 : vector<16xi32>
      %parallel_loop3A_68 = tpu.vector_load_idx %arg5[%parallel_loop3A_67] : memref<1024xf32, #tpu.memory_space<vmem>>[vector<16xi32>], vector<16xf32>,
      %parallel_loop3A_69 = arith.constant 128 : i32
      %parallel_loop3A_70 = arith.addi %parallel_loop3A_56, %parallel_loop3A_69 : i32
      %parallel_loop3A_71 = arith.index_cast %parallel_loop3A_70 : i32 to index
      %parallel_loop3A_72 = tpu.vector_load %arg7[%parallel_loop3A_71] {strides = array<i32>} : memref<32768xf32, #tpu.memory_space<vmem>>, vector<16xf32>,
      tpu.vector_store %arg7[%parallel_loop3A_71], %parallel_loop3A_68 {strides = array<i32>} : memref<32768xf32, #tpu.memory_space<vmem>>, vector<16xf32>,
      %parallel_loop3A_73 = arith.constant 512 : i32
      %parallel_loop3A_74 = vector.broadcast %parallel_loop3A_73 : i32 to vector<16xi32>
      %parallel_loop3A_75 = arith.addi %parallel_loop3A_11, %parallel_loop3A_74 : vector<16xi32>
      %parallel_loop3A_76 = tpu.vector_load_idx %arg5[%parallel_loop3A_75] : memref<1024xf32, #tpu.memory_space<vmem>>[vector<16xi32>], vector<16xf32>,
      %parallel_loop3A_77 = arith.constant 256 : i32
      %parallel_loop3A_78 = arith.addi %parallel_loop3A_56, %parallel_loop3A_77 : i32
      %parallel_loop3A_79 = arith.index_cast %parallel_loop3A_78 : i32 to index
      %parallel_loop3A_80 = tpu.vector_load %arg7[%parallel_loop3A_79] {strides = array<i32>} : memref<32768xf32, #tpu.memory_space<vmem>>, vector<16xf32>,
      tpu.vector_store %arg7[%parallel_loop3A_79], %parallel_loop3A_76 {strides = array<i32>} : memref<32768xf32, #tpu.memory_space<vmem>>, vector<16xf32>,
      %parallel_loop3A_81 = arith.constant 768 : i32
      %parallel_loop3A_82 = vector.broadcast %parallel_loop3A_81 : i32 to vector<16xi32>
      %parallel_loop3A_83 = arith.addi %parallel_loop3A_11, %parallel_loop3A_82 : vector<16xi32>
      %parallel_loop3A_84 = tpu.vector_load_idx %arg5[%parallel_loop3A_83] : memref<1024xf32, #tpu.memory_space<vmem>>[vector<16xi32>], vector<16xf32>,
      %parallel_loop3A_85 = arith.constant 384 : i32
      %parallel_loop3A_86 = arith.addi %parallel_loop3A_56, %parallel_loop3A_85 : i32
      %parallel_loop3A_87 = arith.index_cast %parallel_loop3A_86 : i32 to index
      %parallel_loop3A_88 = tpu.vector_load %arg7[%parallel_loop3A_87] {strides = array<i32>} : memref<32768xf32, #tpu.memory_space<vmem>>, vector<16xf32>,
      tpu.vector_store %arg7[%parallel_loop3A_87], %parallel_loop3A_84 {strides = array<i32>} : memref<32768xf32, #tpu.memory_space<vmem>>, vector<16xf32>,
    } {sc.loop_unroll_factor = 16 : i64, sc.parallel_access}
    %mul3A_5 = arith.constant 4 : i32
    %mul3A_6 = arith.muli %mul3A_2, %mul3A_5 : i32
    "tpu.region"() ({
      %run_scoped3A = tpu.sem_alloc : memref<!tpu.dma_semaphore, #tpu.memory_space<semaphore_mem>>
      %dma_start3A = tpu.memref_slice %arg4[%mul3A_6] : memref<1048576xf32, #tpu.memory_space<hbm>> -> memref<32768xf32, #tpu.memory_space<hbm>>
      %dma_start3A_7 = tpu.memref_slice %arg4[%mul3A_6] : memref<1048576xf32, #tpu.memory_space<hbm>> -> memref<32768xf32, #tpu.memory_space<hbm>>
      tpu.enqueue_dma source(%arg7 : memref<32768xf32, #tpu.memory_space<vmem>>) target(%dma_start3A_7 : memref<32768xf32, #tpu.memory_space<hbm>>) target_semaphore(%run_scoped3A : memref<!tpu.dma_semaphore, #tpu.memory_space<semaphore_mem>>)
      %dma_wait3A = tpu.memref_slice %arg4[%mul3A_6] : memref<1048576xf32, #tpu.memory_space<hbm>> -> memref<32768xf32, #tpu.memory_space<hbm>>
      %dma_wait3A_8 = tpu.memref_slice %arg4[%mul3A_6] : memref<1048576xf32, #tpu.memory_space<hbm>> -> memref<32768xf32, #tpu.memory_space<hbm>>
      tpu.wait_dma2 semaphore(%run_scoped3A : memref<!tpu.dma_semaphore, #tpu.memory_space<semaphore_mem>>) src(%arg7 : memref<32768xf32, #tpu.memory_space<vmem>>) dst(%dma_wait3A_8 : memref<32768xf32, #tpu.memory_space<hbm>>)
      tpu.yield
    }) : () -> ()
    return
  }
}

module attributes {stable_mosaic.version = 14 : i64} {
  func.func @_tc_body(%arg0: i32, %arg1: memref<4x16384xf32, #tpu.memory_space<vmem>>, %arg2: memref<256x4xf32, #tpu.memory_space<vmem>>, %arg3: memref<16384xi32, #tpu.memory_space<vmem>>) attributes {dimension_semantics = [#tpu.dimension_semantics<arbitrary>], iteration_bounds = array<i64: 16>, scalar_prefetch = 0 : i64, scratch_operands = 0 : i64, tpu.core_type = #tpu.core_type<tc>, window_params = [{transform_indices = @transform_0, window_bounds = array<i64: 4, 16384>}, {pipeline_mode = #tpu.pipeline_mode<synchronous>, transform_indices = @transform_1, window_bounds = array<i64: 256, 4>}, {transform_indices = @transform_2, window_bounds = array<i64: 16384>}]} {
    %get3A = arith.constant 0 : index
    %get3A_0 = arith.constant 0 : index
    %get3A_1 = vector.load %arg1[%get3A, %get3A_0] : memref<4x16384xf32, #tpu.memory_space<vmem>>, vector<4x16384xf32>
    %get3A_2 = arith.constant 0 : index
    %get3A_3 = arith.constant 0 : index
    %get3A_4 = vector.load %arg2[%get3A_2, %get3A_3] : memref<256x4xf32, #tpu.memory_space<vmem>>, vector<256x4xf32>
    %mul3A = arith.mulf %get3A_4, %get3A_4 : vector<256x4xf32>
    %reduce_sum3A = arith.constant dense<0.000000e+00> : vector<256xf32>
    %reduce_sum3A_5 = vector.multi_reduction <add>, %mul3A, %reduce_sum3A [1] : vector<256x4xf32> to vector<256xf32>
    %broadcast_in_dim3A = vector.shape_cast %reduce_sum3A_5 : vector<256xf32> to vector<256x1xf32>
    %dot_general3A = arith.constant dense<0.000000e+00> : vector<256x16384xf32>
    %dot_general3A_6 = tpu.matmul %get3A_4, %get3A_1, %dot_general3A {dimension_numbers = #tpu.dot_dimension_numbers<[1], [0], [0], [1], [0, 0, 1, 1], [], []>, transpose_lhs_hint = false} : vector<256x4xf32>, vector<4x16384xf32>, vector<256x16384xf32> -> vector<256x16384xf32>
    %mul3A_7 = arith.constant 2.000000e+00 : f32
    %mul3A_8 = vector.broadcast %mul3A_7 : f32 to vector<256x16384xf32>
    %mul3A_9 = arith.mulf %mul3A_8, %dot_general3A_6 : vector<256x16384xf32>
    %sub3A = vector.broadcast %broadcast_in_dim3A : vector<256x1xf32> to vector<256x16384xf32>
    %sub3A_10 = arith.subf %sub3A, %mul3A_9 : vector<256x16384xf32>
    %reduce_min3A = arith.constant dense<0x7F800000> : vector<16384xf32>
    %reduce_min3A_11 = vector.multi_reduction <minimumf>, %sub3A_10, %reduce_min3A [0] : vector<256x16384xf32> to vector<16384xf32>
    %broadcast_in_dim3A_12 = vector.shape_cast %reduce_min3A_11 : vector<16384xf32> to vector<1x16384xf32>
    %iota3A = tpu.iota {dimensions = array<i32: 0>} : vector<256x16384xi32>
    %eq3A = vector.broadcast %broadcast_in_dim3A_12 : vector<1x16384xf32> to vector<256x16384xf32>
    %eq3A_13 = arith.cmpf oeq, %sub3A_10, %eq3A : vector<256x16384xf32>
    %jit3A = arith.constant 256 : i32
    %broadcast_in_dim3A_14 = vector.broadcast %jit3A : i32 to vector<256x16384xi32>
    %select_n3A = arith.select %eq3A_13, %iota3A, %broadcast_in_dim3A_14 : vector<256x16384xi1>, vector<256x16384xi32>
    %reduce_min3A_15 = arith.constant dense<2147483647> : vector<16384xi32>
    %reduce_min3A_16 = vector.multi_reduction <minsi>, %select_n3A, %reduce_min3A_15 [0] : vector<256x16384xi32> to vector<16384xi32>
    %broadcast_in_dim3A_17 = vector.shape_cast %reduce_min3A_16 : vector<16384xi32> to vector<1x16384xi32>
    %squeeze3A = vector.shape_cast %broadcast_in_dim3A_17 : vector<1x16384xi32> to vector<16384xi32>
    %swap3A = arith.constant 0 : index
    %swap3A_18 = vector.load %arg3[%swap3A] : memref<16384xi32, #tpu.memory_space<vmem>>, vector<16384xi32>
    tpu.vector_store %arg3[%swap3A], %squeeze3A {strides = array<i32>} : memref<16384xi32, #tpu.memory_space<vmem>>, vector<16384xi32>,
    return
  }
  func.func @transform_0(%arg0: i32) -> (i32, i32) {
    %c0_i32 = arith.constant 0 : i32
    %c0_i32_0 = arith.constant 0 : i32
    return %c0_i32, %arg0 : i32, i32
  }
  func.func @transform_1(%arg0: i32) -> (i32, i32) {
    %c0_i32 = arith.constant 0 : i32
    %c0_i32_0 = arith.constant 0 : i32
    %c0_i32_1 = arith.constant 0 : i32
    return %c0_i32, %c0_i32_0 : i32, i32
  }
  func.func @transform_2(%arg0: i32) -> i32 {
    %c0_i32 = arith.constant 0 : i32
    return %arg0 : i32
  }
}

</mosaic_0001>

<sc_bundles>
// kernel: kernel.4.cloned.1.call-start
scs
__scs_entry_jumppad:
0x0: {  	(pc) =	sbr.rel $0x88, $3  }
0x1: {  	(tag) =	ssettag $0x0;
	lr =	simm.s32 $0x1  }
0x2: {  	[smem:$0x3F9F] =	sst lr;
	_ =	strace $0xD0000000  }
0x3: {  	_ = 	snop  }
0x4: {  	_ = 	snop  }
0x5: {  	_ = 	snop  }
0x6: {  	_ = 	snop  }
0x7: {  	_ = 	snop  }
__scs_overlays_trampoline_lowered:
0x8: {  	[smem:$0x3FAE] =	sst s0  }
0x9: {  	[smem:$0x3FAF] =	sst s1  }
0xa: {  	[smem:$0x3FB0] =	sst s2  }
0xb: {  	[smem:$0x3FB1] =	sst s3  }
0xc: {  	[smem:$0x3FB2] =	sst s4  }
0xd: {  	[smem:$0x3FB3] =	sst s5  }
0xe: {  	[smem:$0x3FB4] =	sst s6  }
0xf: {  	[smem:$0x3FB5] =	sst s7  }
0x10: {  	[smem:$0x3FB6] =	sst s8  }
0x11: {  	[smem:$0x3FB7] =	sst s9;
	s0 =	simm.s32 @!p0 $0x0  }
0x12: {  	s1 =	sld [smem:$0x3F9D];
	s0 =	simm.s32 @p0 $0x1  }
0x13: {  	[smem:$0x3FB8] =	sst s0;
	s0 =	simm.s32 @!p1 $0x0  }
0x14: {  	s2 =	sld [smem:$0x3F9C];
	s0 =	simm.s32 @p1 $0x1  }
0x15: {  	[smem:$0x3FB9] =	sst s0;
	s0 =	simm.s32 @!p2 $0x0  }
0x16: {  	s3 =	sld [smem:$0x3FDB];
	s0 =	simm.s32 @p2 $0x1  }
0x17: {  	s4 =	simm.s32 $0x1BF5;
	[smem:$0x3FBB] =	sst s0  }
0x18: {  	s0 =	sld [smem:$0x3F9E];
	_ =	swait.ge [sflag:s4], $0x0  }
0x19: {  	s7 =	sld [smem:$0x3F9F]  }
0x1a: {  	s8 =	sadd.s32 $0xFFFFE003, lr  }
0x1b: {  	s9 =	sadd.s32 $0xFFFFFEF7, lr;
	s5 =	simm.s32 $0xFFFFFFFF;
	p2 =	slt.u32 s8, $0xFFFFF086  }
0x1c: {  	p1 =	slt.u32 s9, $0xF7A;
	s5 =	simm.s32 @!p2 $0x0  }
0x1d: {  	s5 =	simm.s32 @p1 $0x1;
	p0 =	seq.s32 s7, s2  }
0x1e: {  	s7 =	smul.u32 @!p0 $0xF7A, s2;
	p2 =	seq.s32 @!p0 s5, $0x0  }
0x1f: {  	s9 =	smul.u32 $0xF7A, s1;
	s8 =	simm.s32 @!p0 $0x1BF5;
	p2 =	por !p2, p0  }
0x20: {  	[sflag:s8] =	ssyncset.s32 @!p0 $0xFFFFF086;
	s6 =	sadd.s32 @!p0 s3, s7;
	s7 =	simm.s32 @!p0 $0x108  }
0x21: {  	s3 =	sadd.s32 s3, s9;
	s6 =	sadd.s32 @!p0 $0x88, s6;
	s7 =	simm.s32 @p2 $0x1082  }
0x22: {  	[simem:s7], [sflag:s8] =	dma.local @!p0 [hbm:s6], $0xF7A  }
0x23: {  	s9 =	sor.u32 $0xD0000000, s2;
	s6 =	simm.s32 $0x108;
	_ =	swait.ge @!p0 [sflag:s8], $0x0  }
0x24: {  	s3 =	sadd.s32 $0x88, s3;
	s6 =	simm.s32 @!p1 $0x1082;
	[sflag:s4] =	ssyncset.s32 $0xFFFFF086  }
0x25: {  	[simem:s6], [sflag:s4] =	dma.local [hbm:s3], $0xF7A  }
0x26: {  	[smem:$0x3F9F] =	sst s1;
	(tag) =	ssettag s2;
	_ =	strace s9  }
0x27: {  	s1 =	sld [smem:$0x3FAF]  }
0x28: {  	s2 =	sld [smem:$0x3FB0]  }
0x29: {  	s4 =	sld [smem:$0x3FB2]  }
0x2a: {  	p0 =	seq.s32 s5, $0x0;
	s5 =	sld [smem:$0x3FB3]  }
0x2b: {  	s6 =	sld [smem:$0x3FB4]  }
0x2c: {  	s7 =	sld [smem:$0x3FB5]  }
0x2d: {  	s3 =	simm.s32 $0x108;
	s8 =	sld [smem:$0x3FB6]  }
0x2e: {  	s3 =	simm.s32 @!p0 $0x1082;
	s9 =	sld [smem:$0x3FB7]  }
0x2f: {  	lr =	sadd.s32 s0, s3;
	s0 =	sld [smem:$0x3FAE]  }
0x30: {  	s3 =	sld [smem:$0x3FB1]  }
0x31: {  	[smem:$0x3FBA] =	sst s10  }
0x32: {  	s10 =	sld [smem:$0x3FB8];
	_ =	sdelay $0x3  }
0x33: {  	p0 =	seq.s32 s10, $0x1;
	s10 =	sld [smem:$0x3FBA];
	_ =	sdelay $0x3  }
0x34: {  	[smem:$0x3FBA] =	sst s10  }
0x35: {  	s10 =	sld [smem:$0x3FB9];
	_ =	sdelay $0x3  }
0x36: {  	p1 =	seq.s32 s10, $0x1;
	s10 =	sld [smem:$0x3FBA];
	_ =	sdelay $0x3  }
0x37: {  	[smem:$0x3FBA] =	sst s10  }
0x38: {  	s10 =	sld [smem:$0x3FBB]  }
0x39: {  	_ = 	snop;
	(pc) =	sbr.ind lr, $3  }
0x3a: {  	_ = 	snop  }
0x3b: {  	_ = 	snop  }
0x3c: {  	p2 =	seq.s32 s10, $0x1;
	s10 =	sld [smem:$0x3FBA]  }
0x3d: {  	_ =	shalt  }
0x3e: {  	_ =	shalt  }
0x3f: {  	_ =	shalt  }
0x40: {  	_ =	shalt  }
0x41: {  	_ =	shalt  }
0x42: {  	_ =	shalt  }
0x43: {  	_ =	shalt  }
0x44: {  	_ =	shalt  }
0x45: {  	_ =	shalt  }
0x46: {  	_ =	shalt  }
0x47: {  	_ =	shalt  }
0x48: {  	_ =	shalt  }
0x49: {  	_ =	shalt  }
0x4a: {  	_ =	shalt  }
0x4b: {  	_ =	shalt  }
0x4c: {  	_ =	shalt  }
0x4d: {  	_ =	shalt  }
0x4e: {  	_ =	shalt  }
0x4f: {  	_ =	shalt  }
0x50: {  	_ =	shalt  }
0x51: {  	_ =	shalt  }
0x52: {  	_ =	shalt  }
0x53: {  	_ =	shalt  }
0x54: {  	_ =	shalt  }
0x55: {  	_ =	shalt  }
0x56: {  	_ =	shalt  }
0x57: {  	_ =	shalt  }
0x58: {  	_ =	shalt  }
0x59: {  	_ =	shalt  }
0x5a: {  	_ =	shalt  }
0x5b: {  	_ =	shalt  }
0x5c: {  	_ =	shalt  }
0x5d: {  	_ =	shalt  }
0x5e: {  	_ =	shalt  }
0x5f: {  	_ =	shalt  }
0x60: {  	_ =	shalt  }
0x61: {  	_ =	shalt  }
0x62: {  	_ =	shalt  }
0x63: {  	_ =	shalt  }
0x64: {  	_ =	shalt  }
0x65: {  	_ =	shalt  }
0x66: {  	_ =	shalt  }
0x67: {  	_ =	shalt  }
0x68: {  	_ =	shalt  }
0x69: {  	_ =	shalt  }
0x6a: {  	_ =	shalt  }
0x6b: {  	_ =	shalt  }
0x6c: {  	_ =	shalt  }
0x6d: {  	_ =	shalt  }
0x6e: {  	_ =	shalt  }
0x6f: {  	_ =	shalt  }
0x70: {  	_ =	shalt  }
0x71: {  	_ =	shalt  }
0x72: {  	_ =	shalt  }
0x73: {  	_ =	shalt  }
0x74: {  	_ =	shalt  }
0x75: {  	_ =	shalt  }
0x76: {  	_ =	shalt  }
0x77: {  	_ =	shalt  }
0x78: {  	_ =	shalt  }
0x79: {  	_ =	shalt  }
0x7a: {  	_ =	shalt  }
0x7b: {  	_ =	shalt  }
0x7c: {  	_ =	shalt  }
0x7d: {  	_ =	shalt  }
0x7e: {  	_ =	shalt  }
0x7f: {  	_ =	shalt  }
0x80: {  	_ =	shalt  }
0x81: {  	_ =	shalt  }
0x82: {  	_ =	shalt  }
0x83: {  	_ =	shalt  }
0x84: {  	_ =	shalt  }
0x85: {  	_ =	shalt  }
0x86: {  	_ =	shalt  }
0x87: {  	_ =	shalt  }
.Lfunc_end0:
.L_simem_size_0:
called_computation_lowered:
.L_overlay_start_0:
0x88: {  	s2 =	sld [smem:$0x3FD9]  }
0x89: {  	s3 =	sld [smem:$0x3FFE];
	_ =	sdelay $0x1  }
0x8a: {  	s1 =	srdreg.scid  }
0x8b: {  	s0 =	sand.u32 $0x1, s1  }
0x8c: {  	s14 =	sshll.u32 s0, $0xA;
	s2 =	sadd.s32 s3, s2  }
0x8d: {  	s2 =	sadd.s32 s2, s14  }
0x8e: {  	[smem:$0x3FC6] =	sst s2  }
0x8f: {  	_ = 	snop  }
0x90: {  	s2 =	sld [smem:$0x3FD0];
	_ =	sdelay $0x2  }
0x91: {  	s15 =	simm.s32 $0xA;
	s4 =	simm.s32 $0x10  }
0x92: {  	[smem:s4], [sflag:s15] =	dma.local [hbm:s2], $0x1  }
0x93: {  	_ =	swait.eq [sflag:s15], $0x1  }
0x94: {  	[sflag:s15] =	ssyncset.done $0x0  }
0x95: {  	s16 =	sld [smem:$0x10];
	[sflag:s15] =	ssyncadd.s32 $0xFFFFFFFF  }
0x96: {  	s17 =	sld [smem:$0x11];
	(tm) =	ssettm $0x1  }
0x97: {  	s18 =	sld [smem:$0x3FFB];
	_ =	sdelay $0x3  }
0x98: {  	_ =	strace s18  }
0x99: {  	s4 =	sld [smem:$0x3FFC];
	_ =	sdelay $0x3  }
0x9a: {  	_ =	strace s4  }
0x9b: {  	s4 =	sld [smem:$0x3FFD];
	_ =	sdelay $0x3  }
0x9c: {  	_ =	strace s4  }
0x9d: {  	_ =	strace $0x8FFFFFFF  }
0x9e: {  	s19 =	sld [smem:$0x3FDB];
	_ =	sdelay $0x1  }
0x9f: {  	s5 =	simm.s32 $_scs_section_size  }
0xa0: {  	s6 =	simm.s32 $_size__tile_overlayer_lowered;
	s7 =	simm.s32 $_tile_overlayer_lowered  }
0xa1: {  	s22 =	simm.s32 $0x1BFF;
	s21 =	sshll.u32 s7, $0x1;
	s4 =	sadd.s32 s5, s19  }
0xa2: {  	s8 =	simm.s32 $0x0;
	s20 =	sshll.u32 s6, $0x1;
	s6 =	sadd.s32 s21, s4  }
0xa3: {  	[timem:s8], [sflag:s22] =	dma.local [hbm:s6], s20  }
0xa4: {  	_ =	swait.ge [sflag:s22], s20  }
0xa5: {  	s5 =	ssub.s32 $0x0, s20;
	[sflag:s22] =	ssyncset.done $0x0  }
0xa6: {  	[sflag:s22] =	ssyncadd.s32 s5;
	_ =	sdelay $0x1  }
0xa7: {  	s23 =	simm.s32 $0x1B8B  }
0xa8: {  	_ =	swait.ge [sflag:s23], $0x1  }
0xa9: {  	[sflag:s23] =	ssyncset.done $0x0  }
0xaa: {  	s25 =	simm.s32 $0x1B8E;
	s24 =	sld [smem:$0x3FFE];
	[sflag:s23] =	ssyncadd.s32 $0xFFFFFFFF  }
0xab: {  	s26 =	simm.s32 $execute0_lowered;
	[smem:$0x3FD2] =	sst s25  }
0xac: {  	s6 =	sshll.u32 s26, $0x1;
	_ =	strace $0x80000046;
	[dreg:$0x1] =	wrdreg $0xFFFFFFFF  }
0xad: {  	s28 =	simm.s32 $_size_execute0_lowered;
	s4 =	sadd.s32 s4, s6;
	[dreg:$0x0] =	wrdreg $0x0  }
0xae: {  	s6 =	sshll.u32 s28, $0x1;
	[dreg:$0x2] =	wrdreg s4  }
0xaf: {  	[dreg:$0x3] =	wrdreg s6  }
0xb0: {  	[dreg:$0x4] =	wrdreg $0xC0  }
0xb1: {  	_ =	task [dreg:s8], $0x5FFFF  }
0xb2: {  	[dreg:$0x1] =	wrdreg $0xFFFFFFFF  }
0xb3: {  	[dreg:$0x0] =	wrdreg $0x60  }
0xb4: {  	[dreg:$0x2] =	wrdreg s24  }
0xb5: {  	[dreg:$0x3] =	wrdreg s17  }
0xb6: {  	[dreg:$0x4] =	wrdreg s16  }
0xb7: {  	[dreg:$0x5] =	wrdreg $0x9  }
0xb8: {  	_ =	task.clear_ibuf [dreg:s8], $0x6FFFF;
	_ =	strace $0x90000046  }
0xb9: {  	s29 =	simm.s32 $0x9;
	_ =	strace $0x80000048  }
0xba: {  	_ =	swait.ge [sflag:s29], $0x1  }
0xbb: {  	[sflag:s29] =	ssyncadd.s32 $0xFFFFFFFF  }
0xbc: {  	_ =	strace $0x90000048  }
0xbd: {  	_ =	sfence  }
0xbe: {  	s30 =	sld [smem:$0x0];
	_ =	sdelay $0x2  }
0xbf: {  	s31 =	sshll.u32 s1, $0xD;
	s1 =	sshrl.u32 s1, $0x2  }
0xc0: {  	s3 =	sand.u32 $0x4000, s31;
	s1 =	sadd.s32 s1, s30  }
0xc1: {  	s0 =	sor.u32 s3, s0;
	s1 =	sshll.u32 s1, $0x11  }
0xc2: {  	s0 =	sor.u32 s1, s0  }
0xc3: {  	s0 =	sadd.s32 $0x8F2B, s0  }
0xc4: {  	[sflag:s0] =	ssyncadd.remote.s32 $0x1  }
0xc5: {  	_ =	sfence.sel $0xFFFF  }
0xc6: {  	[dreg:$0x0] =	wrdreg $0xFFFFFFFF;
	(pc) =	sbr.abs _section_cstart, $3  }
0xc7: {  	[dreg:$0x1] =	wrdreg $0xFFFFFFFF  }
0xc8: {  	_ =	task.clear_ibuf [dreg:s8], $0x2FFFF;
	_ =	strace $0x9FFFFFFF  }
0xc9: {  	(tm) =	ssettm $0x7FFFFFFF  }
tec
execute0_lowered:
.L_overlay_start_1:
0x0: {  	(tag) =	ssettag $0x1  }
0x1: {  	s3 =	rddreg [dreg:$0x0]  }
0x2: {  	s4 =	rddreg [dreg:$0x1]  }
0x3: {  	s5 =	rddreg [dreg:$0x2]  }
0x4: {  	s0 =	rddreg [dreg:$0x3]  }
0x5: {  	s2 =	simm.s32 $0x0;
	s6 =	srdreg.scid;
	s1 =	stileid.u32  }
0x6: {  	s10 =	simm.s32 $0x0;
	[smem:$0x7FF] =	sst s2;
	s6 =	sand.u32 $0x1, s6  }
0x7: {  	s7 =	sshll.u32 s1, $0x1;
	s3 =	sadd.s32 $0x600, s3;
	s8 =	ssub.s32 $0x2, s6  }
0x8: {  	_ =	strace $0x80000047;
	s6 =	sor.u32 s6, s7;
	s31 =	sshrl.u32 s8, $0x1  }
0x9: {  	s9 =	sshll.u32 s6, $0xA;
	s6 =	sshll.u32 s6, $0xC;
	s7 =	ssub.s32 s8, s31  }
0xa: {  	s4 =	sadd.s32 s4, s9;
	s5 =	sadd.s32 s5, s6;
	s8 =	simm.s32 $0x400  }
0xb: {  	s9 =	simm.s32 $0x2400;
	s6 =	smax.u32 s7, $0x1;
	s7 =	simm.s32 $0x1  }
.LBB2_1:
0xc: {  	[tilespmem:s2], [sflag:$0x1] =	stream.linear.gather [hbm4b:s3+s2], $0x400, $0x38;
	[tilespmem:$0xA400] =	vst v63  }
0xd: {  	_ =	swait.ge [sflag:s7], $0x400  }
0xe: {  	[sflag:s7] =	ssyncset.done $0x0  }
0xf: {  	[sflag:s7] =	ssyncadd.s32 $0xFFFFFC00  }
0x10: {  	[tilespmem:s8], [sflag:$0x1] =	stream.linear.gather [hbm4b:s4+s2], $0x2000, $0x38;
	[tilespmem:$0xA400] =	vst v63  }
0x11: {  	_ =	swait.ge [sflag:s7], $0x2000  }
0x12: {  	[sflag:s7] =	ssyncset.done $0x0  }
0x13: {  	s12 =	simm.s32 $0x480;
	[sflag:s7] =	ssyncadd.s32 $0xFFFFE000  }
0x14: {  	v14 =	vld [tilespmem:s12+$0x70]  }
0x15: {  	v13 =	vld [tilespmem:s12+$0xFFFFFF90]  }
0x16: {  	v12 =	vld [tilespmem:s12+$0xFFFFFFA0]  }
0x17: {  	v11 =	vld [tilespmem:s12+$0xFFFFFFB0]  }
0x18: {  	v10 =	vld [tilespmem:s12+$0xFFFFFFC0]  }
0x19: {  	v9 =	vld [tilespmem:s12+$0xFFFFFFD0]  }
0x1a: {  	v8 =	vld [tilespmem:s12+$0xFFFFFFE0]  }
0x1b: {  	v7 =	vld [tilespmem:s12+$0xFFFFFFF0]  }
0x1c: {  	v6 =	vld [tilespmem:s12+$0x0]  }
0x1d: {  	v5 =	vld [tilespmem:s12+$0x10]  }
0x1e: {  	v4 =	vld [tilespmem:s12+$0x20]  }
0x1f: {  	v3 =	vld [tilespmem:s12+$0x30]  }
0x20: {  	v2 =	vld [tilespmem:s12+$0x40]  }
0x21: {  	v0 =	vld [tilespmem:s12+$0x50]  }
0x22: {  	v16 =	vld [tilespmem:s12+$0xFFFFFF80]  }
0x23: {  	v1 =	vld.idx.msk [tilespmem:v14+s2+$0x0], $0xffff  }
0x24: {  	v18 =	vld.idx.msk [tilespmem:v13+s2+$0x0], $0xffff  }
0x25: {  	v19 =	vld.idx.msk [tilespmem:v12+s2+$0x0], $0xffff  }
0x26: {  	v20 =	vld.idx.msk [tilespmem:v11+s2+$0x0], $0xffff  }
0x27: {  	v21 =	vld.idx.msk [tilespmem:v10+s2+$0x0], $0xffff  }
0x28: {  	v52 =	vld.idx.msk [tilespmem:v9+s2+$0x0], $0xffff  }
0x29: {  	s11 =	simm.s32 $0x2600;
	v53 =	vld.idx.msk [tilespmem:v8+s2+$0x0], $0xffff  }
0x2a: {  	v22 =	vld.idx.msk [tilespmem:v16+s2+$0x0], $0xffff;
	[tilespmem:s11+$0x70] =	vst v1  }
0x2b: {  	v54 =	vld.idx.msk [tilespmem:v7+s2+$0x0], $0xffff;
	[tilespmem:s11+$0xFFFFFE10] =	vst v18  }
0x2c: {  	v55 =	vld.idx.msk [tilespmem:v6+s2+$0x0], $0xffff;
	[tilespmem:s11+$0xFFFFFE20] =	vst v19  }
0x2d: {  	v56 =	vld.idx.msk [tilespmem:v5+s2+$0x0], $0xffff;
	[tilespmem:s11+$0xFFFFFE30] =	vst v20  }
0x2e: {  	v15 =	vadd.s32 $0x100, v14;
	v58 =	vld.idx.msk [tilespmem:v4+s2+$0x0], $0xffff;
	[tilespmem:s11+$0xFFFFFE40] =	vst v21  }
0x2f: {  	v59 =	vadd.s32 $0x100, v13;
	v60 =	vld.idx.msk [tilespmem:v3+s2+$0x0], $0xffff;
	[tilespmem:s11+$0xFFFFFE50] =	vst v52  }
0x30: {  	v23 =	vadd.s32 $0x100, v12;
	v61 =	vld.idx.msk [tilespmem:v2+s2+$0x0], $0xffff;
	[tilespmem:s11+$0xFFFFFE60] =	vst v53  }
0x31: {  	v24 =	vadd.s32 $0x100, v11;
	v62 =	vld.idx.msk [tilespmem:v0+s2+$0x0], $0xffff;
	[tilespmem:s11+$0xFFFFFE00] =	vst v22  }
0x32: {  	v25 =	vadd.s32 $0x100, v10;
	v1 =	vld [tilespmem:s12+$0x60];
	[tilespmem:s11+$0xFFFFFE70] =	vst v54  }
0x33: {  	v26 =	vadd.s32 $0x100, v9;
	[tilespmem:s11+$0x0] =	vst v55;
	v15 =	vld.idx.msk [tilespmem:v15+s2+$0x0], $0xffff  }
0x34: {  	v30 =	vadd.s32 $0x100, v6;
	[tilespmem:s11+$0x10] =	vst v56;
	v18 =	vld.idx.msk [tilespmem:v59+s2+$0x0], $0xffff  }
0x35: {  	v31 =	vadd.s32 $0x100, v5;
	[tilespmem:s11+$0x20] =	vst v58;
	v23 =	vld.idx.msk [tilespmem:v23+s2+$0x0], $0xffff  }
0x36: {  	v32 =	vadd.s32 $0x100, v4;
	[tilespmem:s11+$0x30] =	vst v60;
	v24 =	vld.idx.msk [tilespmem:v24+s2+$0x0], $0xffff  }
0x37: {  	v33 =	vadd.s32 $0x100, v3;
	[tilespmem:s11+$0x40] =	vst v61;
	v25 =	vld.idx.msk [tilespmem:v25+s2+$0x0], $0xffff  }
0x38: {  	v34 =	vadd.s32 $0x100, v2;
	[tilespmem:s11+$0x50] =	vst v62;
	v26 =	vld.idx.msk [tilespmem:v26+s2+$0x0], $0xffff  }
0x39: {  	v35 =	vadd.s32 $0x100, v0;
	v22 =	vld.idx.msk [tilespmem:v30+s2+$0x0], $0xffff;
	[tilespmem:s11+$0xF0] =	vst v15  }
0x3a: {  	v17 =	vadd.s32 $0x200, v14;
	v19 =	vld.idx.msk [tilespmem:v31+s2+$0x0], $0xffff;
	[tilespmem:s11+$0xFFFFFE90] =	vst v18  }
0x3b: {  	v29 =	vadd.s32 $0x100, v7;
	v20 =	vld.idx.msk [tilespmem:v32+s2+$0x0], $0xffff;
	[tilespmem:s11+$0xFFFFFEA0] =	vst v23  }
0x3c: {  	v38 =	vadd.s32 $0x200, v13;
	v21 =	vld.idx.msk [tilespmem:v33+s2+$0x0], $0xffff;
	[tilespmem:s11+$0xFFFFFEB0] =	vst v24  }
0x3d: {  	v39 =	vadd.s32 $0x200, v12;
	v40 =	vld.idx.msk [tilespmem:v34+s2+$0x0], $0xffff;
	[tilespmem:s11+$0xFFFFFEC0] =	vst v25  }
0x3e: {  	v43 =	vadd.s32 $0x200, v10;
	v42 =	vld.idx.msk [tilespmem:v35+s2+$0x0], $0xffff;
	[tilespmem:s11+$0xFFFFFED0] =	vst v26  }
0x3f: {  	v45 =	vadd.s32 $0x200, v9;
	[tilespmem:s11+$0x80] =	vst v22;
	v15 =	vld.idx.msk [tilespmem:v17+s2+$0x0], $0xffff  }
0x40: {  	v48 =	vadd.s32 $0x200, v6;
	[tilespmem:s11+$0x90] =	vst v19;
	v17 =	vld.idx.msk [tilespmem:v29+s2+$0x0], $0xffff  }
0x41: {  	v50 =	vadd.s32 $0x200, v4;
	[tilespmem:s11+$0xA0] =	vst v20;
	v25 =	vld.idx.msk [tilespmem:v38+s2+$0x0], $0xffff  }
0x42: {  	v52 =	vadd.s32 $0x200, v2;
	[tilespmem:s11+$0xB0] =	vst v21;
	v26 =	vld.idx.msk [tilespmem:v39+s2+$0x0], $0xffff  }
0x43: {  	v53 =	vadd.s32 $0x200, v0;
	[tilespmem:s11+$0xC0] =	vst v40;
	v18 =	vld.idx.msk [tilespmem:v43+s2+$0x0], $0xffff  }
0x44: {  	[tilespmem:s11+$0xD0] =	vst v42;
	v23 =	vld.idx.msk [tilespmem:v45+s2+$0x0], $0xffff  }
0x45: {  	v57 =	vadd.s32 $0x100, v16;
	v21 =	vld.idx.msk [tilespmem:v48+s2+$0x0], $0xffff;
	[tilespmem:s11+$0x170] =	vst v15  }
0x46: {  	v51 =	vadd.s32 $0x200, v3;
	v56 =	vld.idx.msk [tilespmem:v50+s2+$0x0], $0xffff;
	[tilespmem:s11+$0xFFFFFEF0] =	vst v17  }
0x47: {  	v14 =	vadd.s32 $0x300, v14;
	v58 =	vld.idx.msk [tilespmem:v52+s2+$0x0], $0xffff;
	[tilespmem:s11+$0xFFFFFF10] =	vst v25  }
0x48: {  	v47 =	vadd.s32 $0x200, v7;
	v59 =	vld.idx.msk [tilespmem:v53+s2+$0x0], $0xffff;
	[tilespmem:s11+$0xFFFFFF20] =	vst v26  }
0x49: {  	v13 =	vadd.s32 $0x300, v13;
	v63 =	vld.idx.msk [tilespmem:v1+s2+$0x0], $0xffff;
	[tilespmem:s11+$0xFFFFFF40] =	vst v18  }
0x4a: {  	v12 =	vadd.s32 $0x300, v12;
	v15 =	vld.idx.msk [tilespmem:v57+s2+$0x0], $0xffff;
	[tilespmem:s11+$0xFFFFFF50] =	vst v23  }
0x4b: {  	v10 =	vadd.s32 $0x300, v10;
	v57 =	vld.idx.msk [tilespmem:v51+s2+$0x0], $0xffff;
	[tilespmem:s11+$0x100] =	vst v21  }
0x4c: {  	v9 =	vadd.s32 $0x300, v9;
	[tilespmem:s11+$0x120] =	vst v56;
	v14 =	vld.idx.msk [tilespmem:v14+s2+$0x0], $0xffff  }
0x4d: {  	v28 =	vadd.s32 $0x100, v8;
	[tilespmem:s11+$0x140] =	vst v58;
	v20 =	vld.idx.msk [tilespmem:v47+s2+$0x0], $0xffff  }
0x4e: {  	v6 =	vadd.s32 $0x300, v6;
	[tilespmem:s11+$0x150] =	vst v59;
	v13 =	vld.idx.msk [tilespmem:v13+s2+$0x0], $0xffff  }
0x4f: {  	v4 =	vadd.s32 $0x300, v4;
	[tilespmem:s11+$0x60] =	vst v63;
	v12 =	vld.idx.msk [tilespmem:v12+s2+$0x0], $0xffff  }
0x50: {  	v36 =	vadd.s32 $0x100, v1;
	v10 =	vld.idx.msk [tilespmem:v10+s2+$0x0], $0xffff;
	[tilespmem:s11+$0xFFFFFE80] =	vst v15  }
0x51: {  	v41 =	vadd.s32 $0x200, v11;
	v9 =	vld.idx.msk [tilespmem:v9+s2+$0x0], $0xffff;
	[tilespmem:s11+$0x130] =	vst v57  }
0x52: {  	v37 =	vadd.s32 $0x200, v16;
	[tilespmem:s11+$0x1F0] =	vst v14;
	v14 =	vld.idx.msk [tilespmem:v28+s2+$0x0], $0xffff  }
0x53: {  	v46 =	vadd.s32 $0x200, v8;
	v6 =	vld.idx.msk [tilespmem:v6+s2+$0x0], $0xffff;
	[tilespmem:s11+$0xFFFFFF70] =	vst v20  }
0x54: {  	v49 =	vadd.s32 $0x200, v5;
	v54 =	vadd.s32 $0x200, v1;
	v63 =	vadd.s32 $0x300, v1;
	v1 =	vld.idx.msk [tilespmem:v4+s2+$0x0], $0xffff;
	[tilespmem:s11+$0xFFFFFF90] =	vst v13  }
0x55: {  	v7 =	vadd.s32 $0x300, v7;
	v44 =	vld.idx.msk [tilespmem:v36+s2+$0x0], $0xffff;
	[tilespmem:s11+$0xFFFFFFA0] =	vst v12  }
0x56: {  	v15 =	vld.idx.msk [tilespmem:v41+s2+$0x0], $0xffff;
	[tilespmem:s11+$0xFFFFFFC0] =	vst v10  }
0x57: {  	v11 =	vadd.s32 $0x300, v11;
	v24 =	vld.idx.msk [tilespmem:v37+s2+$0x0], $0xffff;
	[tilespmem:s11+$0xFFFFFEE0] =	vst v14  }
0x58: {  	v55 =	vadd.s32 $0x300, v16;
	[tilespmem:s11+$0xFFFFFFD0] =	vst v9;
	v19 =	vld.idx.msk [tilespmem:v46+s2+$0x0], $0xffff  }
0x59: {  	v8 =	vadd.s32 $0x300, v8;
	[tilespmem:s11+$0x180] =	vst v6;
	v14 =	vld.idx.msk [tilespmem:v49+s2+$0x0], $0xffff  }
0x5a: {  	v5 =	vadd.s32 $0x300, v5;
	[tilespmem:s11+$0xE0] =	vst v44;
	v7 =	vld.idx.msk [tilespmem:v7+s2+$0x0], $0xffff  }
0x5b: {  	v62 =	vadd.s32 $0x300, v0;
	v60 =	vld.idx.msk [tilespmem:v54+s2+$0x0], $0xffff;
	[tilespmem:s11+$0xFFFFFF30] =	vst v15  }
0x5c: {  	v3 =	vadd.s32 $0x300, v3;
	[tilespmem:s11+$0xFFFFFF00] =	vst v24;
	v11 =	vld.idx.msk [tilespmem:v11+s2+$0x0], $0xffff  }
0x5d: {  	v61 =	vadd.s32 $0x300, v2;
	v15 =	vld.idx.msk [tilespmem:v55+s2+$0x0], $0xffff;
	[tilespmem:s11+$0xFFFFFF60] =	vst v19  }
0x5e: {  	[tilespmem:s11+$0x110] =	vst v14;
	v8 =	vld.idx.msk [tilespmem:v8+s2+$0x0], $0xffff  }
0x5f: {  	[tilespmem:s11+$0xFFFFFFF0] =	vst v7;
	v0 =	vld.idx.msk [tilespmem:v5+s2+$0x0], $0xffff  }
0x60: {  	v4 =	vld.idx.msk [tilespmem:v62+s2+$0x0], $0xffff;
	[tilespmem:s11+$0x160] =	vst v60  }
0x61: {  	v2 =	vld.idx.msk [tilespmem:v3+s2+$0x0], $0xffff;
	[tilespmem:s11+$0xFFFFFFB0] =	vst v11  }
0x62: {  	v3 =	vld.idx.msk [tilespmem:v61+s2+$0x0], $0xffff;
	[tilespmem:s11+$0xFFFFFF80] =	vst v15  }
0x63: {  	s13 =	simm.s32 $0x580;
	s12 =	simm.s32 $0x0;
	v5 =	vld.idx.msk [tilespmem:v63+s2+$0x0], $0xffff;
	[tilespmem:s11+$0xFFFFFFE0] =	vst v8  }
.LBB2_2:
0x64: {  	v29 =	vld [tilespmem:s13+$0x70];
	s12 =	sadd.s32 $0x10, s12;
	[tilespmem:s11+$0x190] =	vst v0  }
0x65: {  	v10 =	vld [tilespmem:s13+$0xFFFFFF90];
	p0 =	slt.u32 s12, $0x1F0;
	[tilespmem:s11+$0x1A0] =	vst v1  }
0x66: {  	v11 =	vld [tilespmem:s13+$0xFFFFFFA0];
	[tilespmem:s11+$0x1B0] =	vst v2  }
0x67: {  	v12 =	vld [tilespmem:s13+$0xFFFFFFB0];
	[tilespmem:s11+$0x1C0] =	vst v3  }
0x68: {  	v13 =	vld [tilespmem:s13+$0xFFFFFFC0];
	[tilespmem:s11+$0x1D0] =	vst v4  }
0x69: {  	v30 =	vld [tilespmem:s13+$0xFFFFFFD0];
	[tilespmem:s11+$0x1E0] =	vst v5  }
0x6a: {  	v31 =	vadd.s32 $0x100, v10;
	v14 =	vadd.s32 $0x200, v10;
	v0 =	vadd.s32 $0x300, v10;
	v32 =	vld [tilespmem:s13+$0xFFFFFFE0]  }
0x6b: {  	v33 =	vadd.s32 $0x100, v11;
	v15 =	vadd.s32 $0x200, v11;
	v1 =	vadd.s32 $0x300, v11;
	v34 =	vld [tilespmem:s13+$0xFFFFFFF0]  }
0x6c: {  	v35 =	vadd.s32 $0x100, v12;
	v16 =	vadd.s32 $0x200, v12;
	v2 =	vadd.s32 $0x300, v12;
	v8 =	vld.idx.msk [tilespmem:v29+s2+$0x0], $0xffff  }
0x6d: {  	v36 =	vadd.s32 $0x100, v13;
	v17 =	vadd.s32 $0x200, v13;
	v3 =	vadd.s32 $0x300, v13;
	v37 =	vld [tilespmem:s13+$0x0]  }
0x6e: {  	v9 =	vadd.s32 $0x100, v29;
	v38 =	vadd.s32 $0x100, v30;
	v18 =	vadd.s32 $0x200, v30;
	v39 =	vld [tilespmem:s13+$0x10]  }
0x6f: {  	v4 =	vadd.s32 $0x300, v30;
	v40 =	vadd.s32 $0x100, v32;
	v19 =	vadd.s32 $0x200, v32;
	v41 =	vld [tilespmem:s13+$0x20]  }
0x70: {  	v5 =	vadd.s32 $0x300, v32;
	v42 =	vadd.s32 $0x100, v34;
	v20 =	vadd.s32 $0x200, v34;
	v43 =	vld [tilespmem:s13+$0x30]  }
0x71: {  	s11 =	sadd.s32 $0x400, s11;
	v6 =	vadd.s32 $0x300, v34;
	v44 =	vld [tilespmem:s13+$0x40]  }
0x72: {  	v45 =	vadd.s32 $0x100, v37;
	v21 =	vadd.s32 $0x200, v37;
	v7 =	vadd.s32 $0x300, v37;
	v46 =	vld [tilespmem:s13+$0x50];
	[tilespmem:s11+$0x70] =	vst v8  }
0x73: {  	v47 =	vadd.s32 $0x100, v39;
	v22 =	vadd.s32 $0x200, v39;
	v8 =	vadd.s32 $0x300, v39;
	v28 =	vld.idx.msk [tilespmem:v9+s2+$0x0], $0xffff  }
0x74: {  	v48 =	vadd.s32 $0x100, v41;
	v23 =	vadd.s32 $0x200, v41;
	v9 =	vadd.s32 $0x300, v41;
	v49 =	vld [tilespmem:s13+$0x60]  }
0x75: {  	v52 =	vadd.s32 $0x200, v29;
	v50 =	vld [tilespmem:s13+$0xFFFFFF80];
	v51 =	vadd.s32 $0x100, v43;
	v24 =	vadd.s32 $0x200, v43  }
0x76: {  	v53 =	vld.idx.msk [tilespmem:v10+s2+$0x0], $0xffff;
	v10 =	vadd.s32 $0x300, v43;
	v54 =	vadd.s32 $0x100, v44;
	v25 =	vadd.s32 $0x200, v44  }
0x77: {  	v55 =	vld.idx.msk [tilespmem:v11+s2+$0x0], $0xffff;
	v11 =	vadd.s32 $0x300, v44;
	v56 =	vadd.s32 $0x100, v46;
	v26 =	vadd.s32 $0x200, v46  }
0x78: {  	v57 =	vld.idx.msk [tilespmem:v12+s2+$0x0], $0xffff;
	v12 =	vadd.s32 $0x300, v46  }
0x79: {  	v58 =	vld.idx.msk [tilespmem:v13+s2+$0x0], $0xffff;
	v59 =	vadd.s32 $0x100, v49;
	v27 =	vadd.s32 $0x200, v49;
	v13 =	vadd.s32 $0x300, v49;
	[tilespmem:s11+$0xF0] =	vst v28  }
0x7a: {  	v60 =	vadd.s32 $0x100, v50;
	v61 =	vadd.s32 $0x200, v50;
	v28 =	vadd.s32 $0x300, v50;
	v52 =	vld.idx.msk [tilespmem:v52+s2+$0x0], $0xffff  }
0x7b: {  	v30 =	vld.idx.msk [tilespmem:v30+s2+$0x0], $0xffff  }
0x7c: {  	v29 =	vadd.s32 $0x300, v29;
	[tilespmem:s11+$0xFFFFFE10] =	vst v53;
	v32 =	vld.idx.msk [tilespmem:v32+s2+$0x0], $0xffff  }
0x7d: {  	v50 =	vld.idx.msk [tilespmem:v50+s2+$0x0], $0xffff;
	[tilespmem:s11+$0xFFFFFE20] =	vst v55  }
0x7e: {  	[tilespmem:s11+$0xFFFFFE30] =	vst v57;
	v34 =	vld.idx.msk [tilespmem:v34+s2+$0x0], $0xffff  }
0x7f: {  	[tilespmem:s11+$0xFFFFFE40] =	vst v58;
	v37 =	vld.idx.msk [tilespmem:v37+s2+$0x0], $0xffff  }
0x80: {  	v39 =	vld.idx.msk [tilespmem:v39+s2+$0x0], $0xffff;
	[tilespmem:s11+$0x170] =	vst v52  }
0x81: {  	[tilespmem:s11+$0xFFFFFE50] =	vst v30;
	v29 =	vld.idx.msk [tilespmem:v29+s2+$0x0], $0xffff  }
0x82: {  	[tilespmem:s11+$0xFFFFFE60] =	vst v32;
	v30 =	vld.idx.msk [tilespmem:v41+s2+$0x0], $0xffff  }
0x83: {  	[tilespmem:s11+$0xFFFFFE00] =	vst v50;
	v32 =	vld.idx.msk [tilespmem:v43+s2+$0x0], $0xffff  }
0x84: {  	[tilespmem:s11+$0xFFFFFE70] =	vst v34;
	v34 =	vld.idx.msk [tilespmem:v44+s2+$0x0], $0xffff  }
0x85: {  	[tilespmem:s11+$0x0] =	vst v37;
	v37 =	vld.idx.msk [tilespmem:v46+s2+$0x0], $0xffff  }
0x86: {  	[tilespmem:s11+$0x10] =	vst v39;
	v39 =	vld.idx.msk [tilespmem:v49+s2+$0x0], $0xffff  }
0x87: {  	v41 =	vld.idx.msk [tilespmem:v60+s2+$0x0], $0xffff;
	[tilespmem:s11+$0x1F0] =	vst v29  }
0x88: {  	v29 =	vld.idx.msk [tilespmem:v31+s2+$0x0], $0xffff;
	[tilespmem:s11+$0x20] =	vst v30  }
0x89: {  	v30 =	vld.idx.msk [tilespmem:v33+s2+$0x0], $0xffff;
	[tilespmem:s11+$0x30] =	vst v32  }
0x8a: {  	v31 =	vld.idx.msk [tilespmem:v35+s2+$0x0], $0xffff;
	[tilespmem:s11+$0x40] =	vst v34  }
0x8b: {  	v32 =	vld.idx.msk [tilespmem:v36+s2+$0x0], $0xffff;
	[tilespmem:s11+$0x50] =	vst v37  }
0x8c: {  	v33 =	vld.idx.msk [tilespmem:v38+s2+$0x0], $0xffff;
	[tilespmem:s11+$0x60] =	vst v39  }
0x8d: {  	[tilespmem:s11+$0xFFFFFE80] =	vst v41;
	v34 =	vld.idx.msk [tilespmem:v40+s2+$0x0], $0xffff  }
0x8e: {  	[tilespmem:s11+$0xFFFFFE90] =	vst v29;
	v29 =	vld.idx.msk [tilespmem:v42+s2+$0x0], $0xffff  }
0x8f: {  	[tilespmem:s11+$0xFFFFFEA0] =	vst v30;
	v30 =	vld.idx.msk [tilespmem:v45+s2+$0x0], $0xffff  }
0x90: {  	[tilespmem:s11+$0xFFFFFEB0] =	vst v31;
	v31 =	vld.idx.msk [tilespmem:v47+s2+$0x0], $0xffff  }
0x91: {  	[tilespmem:s11+$0xFFFFFEC0] =	vst v32;
	v32 =	vld.idx.msk [tilespmem:v48+s2+$0x0], $0xffff  }
0x92: {  	[tilespmem:s11+$0xFFFFFED0] =	vst v33;
	v33 =	vld.idx.msk [tilespmem:v51+s2+$0x0], $0xffff  }
0x93: {  	[tilespmem:s11+$0xFFFFFEE0] =	vst v34;
	v34 =	vld.idx.msk [tilespmem:v54+s2+$0x0], $0xffff  }
0x94: {  	[tilespmem:s11+$0xFFFFFEF0] =	vst v29;
	v29 =	vld.idx.msk [tilespmem:v56+s2+$0x0], $0xffff  }
0x95: {  	[tilespmem:s11+$0x80] =	vst v30;
	v30 =	vld.idx.msk [tilespmem:v59+s2+$0x0], $0xffff  }
0x96: {  	v35 =	vld.idx.msk [tilespmem:v61+s2+$0x0], $0xffff;
	[tilespmem:s11+$0x90] =	vst v31  }
0x97: {  	v14 =	vld.idx.msk [tilespmem:v14+s2+$0x0], $0xffff;
	[tilespmem:s11+$0xA0] =	vst v32  }
0x98: {  	v15 =	vld.idx.msk [tilespmem:v15+s2+$0x0], $0xffff;
	[tilespmem:s11+$0xB0] =	vst v33  }
0x99: {  	v16 =	vld.idx.msk [tilespmem:v16+s2+$0x0], $0xffff;
	[tilespmem:s11+$0xC0] =	vst v34  }
0x9a: {  	v17 =	vld.idx.msk [tilespmem:v17+s2+$0x0], $0xffff;
	[tilespmem:s11+$0xD0] =	vst v29  }
0x9b: {  	v18 =	vld.idx.msk [tilespmem:v18+s2+$0x0], $0xffff;
	[tilespmem:s11+$0xE0] =	vst v30  }
0x9c: {  	[tilespmem:s11+$0xFFFFFF00] =	vst v35;
	v19 =	vld.idx.msk [tilespmem:v19+s2+$0x0], $0xffff  }
0x9d: {  	[tilespmem:s11+$0xFFFFFF10] =	vst v14;
	v14 =	vld.idx.msk [tilespmem:v20+s2+$0x0], $0xffff  }
0x9e: {  	[tilespmem:s11+$0xFFFFFF20] =	vst v15;
	v15 =	vld.idx.msk [tilespmem:v21+s2+$0x0], $0xffff  }
0x9f: {  	[tilespmem:s11+$0xFFFFFF30] =	vst v16;
	v16 =	vld.idx.msk [tilespmem:v22+s2+$0x0], $0xffff  }
0xa0: {  	[tilespmem:s11+$0xFFFFFF40] =	vst v17;
	v17 =	vld.idx.msk [tilespmem:v23+s2+$0x0], $0xffff  }
0xa1: {  	[tilespmem:s11+$0xFFFFFF50] =	vst v18;
	v18 =	vld.idx.msk [tilespmem:v24+s2+$0x0], $0xffff  }
0xa2: {  	[tilespmem:s11+$0xFFFFFF60] =	vst v19;
	v19 =	vld.idx.msk [tilespmem:v25+s2+$0x0], $0xffff  }
0xa3: {  	[tilespmem:s11+$0xFFFFFF70] =	vst v14;
	v14 =	vld.idx.msk [tilespmem:v26+s2+$0x0], $0xffff  }
0xa4: {  	[tilespmem:s11+$0x100] =	vst v15;
	v15 =	vld.idx.msk [tilespmem:v27+s2+$0x0], $0xffff  }
0xa5: {  	v20 =	vld.idx.msk [tilespmem:v28+s2+$0x0], $0xffff;
	[tilespmem:s11+$0x110] =	vst v16  }
0xa6: {  	v0 =	vld.idx.msk [tilespmem:v0+s2+$0x0], $0xffff;
	[tilespmem:s11+$0x120] =	vst v17  }
0xa7: {  	v1 =	vld.idx.msk [tilespmem:v1+s2+$0x0], $0xffff;
	[tilespmem:s11+$0x130] =	vst v18  }
0xa8: {  	v2 =	vld.idx.msk [tilespmem:v2+s2+$0x0], $0xffff;
	[tilespmem:s11+$0x140] =	vst v19  }
0xa9: {  	v3 =	vld.idx.msk [tilespmem:v3+s2+$0x0], $0xffff;
	[tilespmem:s11+$0x150] =	vst v14  }
0xaa: {  	v4 =	vld.idx.msk [tilespmem:v4+s2+$0x0], $0xffff;
	[tilespmem:s11+$0x160] =	vst v15  }
0xab: {  	[tilespmem:s11+$0xFFFFFF80] =	vst v20;
	v5 =	vld.idx.msk [tilespmem:v5+s2+$0x0], $0xffff  }
0xac: {  	[tilespmem:s11+$0xFFFFFF90] =	vst v0;
	v6 =	vld.idx.msk [tilespmem:v6+s2+$0x0], $0xffff  }
0xad: {  	[tilespmem:s11+$0xFFFFFFA0] =	vst v1;
	v7 =	vld.idx.msk [tilespmem:v7+s2+$0x0], $0xffff  }
0xae: {  	[tilespmem:s11+$0xFFFFFFB0] =	vst v2;
	v0 =	vld.idx.msk [tilespmem:v8+s2+$0x0], $0xffff  }
.Ltmp0:
0xaf: {  	[tilespmem:s11+$0xFFFFFFC0] =	vst v3;
	v1 =	vld.idx.msk [tilespmem:v9+s2+$0x0], $0xffff;
	(pc) =	sbr.rel @p0 .LBB2_2-.Ltmp0, $4  }
0xb0: {  	[tilespmem:s11+$0xFFFFFFD0] =	vst v4;
	v2 =	vld.idx.msk [tilespmem:v10+s2+$0x0], $0xffff  }
0xb1: {  	[tilespmem:s11+$0xFFFFFFE0] =	vst v5;
	v3 =	vld.idx.msk [tilespmem:v11+s2+$0x0], $0xffff  }
0xb2: {  	[tilespmem:s11+$0xFFFFFFF0] =	vst v6;
	v4 =	vld.idx.msk [tilespmem:v12+s2+$0x0], $0xffff  }
0xb3: {  	s13 =	sadd.s32 $0x100, s13;
	[tilespmem:s11+$0x180] =	vst v7;
	v5 =	vld.idx.msk [tilespmem:v13+s2+$0x0], $0xffff  }
0xb4: {  	[tilespmem:s11+$0x190] =	vst v0  }
0xb5: {  	[tilespmem:s11+$0x1A0] =	vst v1  }
0xb6: {  	[tilespmem:s11+$0x1B0] =	vst v2  }
0xb7: {  	s10 =	sadd.s32 $0x1, s10;
	[tilespmem:s11+$0x1C0] =	vst v3  }
0xb8: {  	p0 =	sne.s32 s10, s6;
	[tilespmem:s11+$0x1D0] =	vst v4  }
.Ltmp1:
0xb9: {  	[tilespmem:s11+$0x1E0] =	vst v5;
	(pc) =	sbr.rel @p0 .LBB2_1-.Ltmp1, $4  }
0xba: {  	[hbm4b:s5+s2] =	stream.linear.scatter [tilespmem:s9], [sflag:$0x1], $0x8000, $0x38;
	[tilespmem:$0xA400] =	vst v63  }
0xbb: {  	_ =	swait.ge [sflag:s7], $0x8000  }
0xbc: {  	[sflag:s7] =	ssyncset.done $0x0  }
0xbd: {  	[sflag:s7] =	ssyncadd.s32 $0xFFFF8000  }
0xbe: {  	_ =	sfence.sel $0x180000  }
0xbf: {  	[bflag:$0x0] =	sbarrier.arrive $0xFFFF  }
0xc0: {  	p0 =	sne.s32 s1, $0x0;
	_ =	strace $0x90000047  }
0xc1: {  	s0 =	sadd.s32 @!p0 $0x100000, s0;
	[bflag:$0x2] =	sbarrier.arrive $0xFFFF  }
0xc2: {  	[sflag:s0] =	ssyncadd.tile.s32 @!p0 $0x1;
	_ =	shalt  }
.Lfunc_end2:
_tile_overlayer_lowered:
.L_overlay_start_2:
0xc3: {  	(tag) =	ssettag $0x2  }
0xc4: {  	s0 =	rddreg [dreg:$0x0];
	s2 =	stileid.u32  }
0xc5: {  	s1 =	rddreg [dreg:$0x1];
	p0 =	sne.s32 s2, $0x0  }
0xc6: {  	s3 =	rddreg [dreg:$0x2];
	[bflag:$0x3] =	sbarrier.arrive $0xFFFF;
	s2 =	simm.s32 @!p0 $0x1C01  }
0xc7: {  	[timem:s3], [sflag:s2] =	dma.local @!p0 [hbm:s0], s1  }
0xc8: {  	s0 =	simm.s32 @!p0 $0x1  }
0xc9: {  	_ =	swait.ge @!p0 [sflag:s0], s1  }
0xca: {  	s1 =	ssub.s32 @!p0 $0x0, s1;
	[sflag:s0] =	ssyncset.done @!p0 $0x0  }
0xcb: {  	[sflag:s0] =	ssyncadd.s32 @!p0 s1  }
0xcc: {  	[bflag:$0x3] =	sbarrier.arrive $0xFFFF  }
0xcd: {  	_ =	shalt  }

</sc_bundles>
